<compile_context>
chip_gen: v7x
topology: tpu7x:2x2x1
jax: 0.10.2.dev20260603
libtpu: 0.0.44.dev20260713+nightly
codegen_flags: <defaults>
</compile_context>

<pallas_src>
import functools

import jax
import jax.numpy as jnp
from jax import lax
from jax.experimental import pallas as pl
from jax.experimental.pallas import tpu as pltpu
from jax.experimental.pallas import tpu_sc as plsc

K = 2048
N = 100000
D = 256
BLK = 5000

NP = 100352
TILES = 16
ROWS_T = NP // TILES // 128
PER_TILE = ROWS_T * 128
CMAX = 2560
DUMP = 8192

MININT = -2147483648
BISECT_B1 = False
BISECT_B2 = False



def _matvec_body(scorer_ref, norm_ref, embs_ref, scores_ref):
    raw = jax.lax.dot(embs_ref[...], scorer_ref[...])
    scores_ref[...] = raw / norm_ref[0]


def _scores(node_embs, scorer, norm):
    grid = N // BLK
    return pl.pallas_call(
        _matvec_body,
        grid=(grid,),
        in_specs=[
            pl.BlockSpec((D, 1), lambda i: (0, 0)),
            pl.BlockSpec(memory_space=pltpu.SMEM),
            pl.BlockSpec((BLK, D), lambda i: (i, 0)),
        ],
        out_specs=pl.BlockSpec((BLK, 1), lambda i: (i, 0)),
        out_shape=jax.ShapeDtypeStruct((N, 1), jnp.float32),
    )(scorer, norm.reshape(1), node_embs)



def _key_u32(f16):
    u = plsc.bitcast(f16, jnp.int32)
    k = jnp.where(u < 0, jnp.bitwise_not(u), jnp.bitwise_xor(u, jnp.int32(MININT)))
    return plsc.bitcast(k, jnp.uint32)


def _select_body(scores_hbm, key_out, idx_out, fk_v, keys_v, tgt_v, val_v,
                 hist_v, red_v, cnt_v, acnt_v, gh_v, zer_v, sem, sem2,
                 sh_hist, sh_cnt, sh_key, sh_idx):
    wid = lax.axis_index("s")
    base = wid * PER_TILE
    lanes = jnp.arange(16, dtype=jnp.int32)
    ones = jnp.ones((16,), jnp.int32)

    pltpu.sync_copy(scores_hbm.at[pl.ds(base, PER_TILE)], fk_v)

    def conv(j, _):
        ku = _key_u32(fk_v[pl.ds(j * 16, 16)])
        keys_v[j // 8, pl.ds((j % 8) * 16, 16)] = plsc.bitcast(ku, jnp.int32)
        return _

    lax.fori_loop(0, ROWS_T * 8, conv, None)

    hi = jnp.uint32(0)
    k_rem = jnp.int32(K)
    for lvl in range(4):
        s = 24 - 8 * lvl

        def zero(i, _):
            hist_v[pl.ds(i * 16, 16)] = jnp.zeros((16,), jnp.int32)
            return _

        lax.fori_loop(0, 256, zero, None)

        def scan(j, _, s=s, lvl=lvl, hi=hi):
            ku = plsc.bitcast(keys_v[j // 8, pl.ds((j % 8) * 16, 16)],
                              jnp.uint32)
            b = lax.convert_element_type(
                jnp.bitwise_and(jnp.right_shift(ku, jnp.uint32(s)),
                                jnp.uint32(0xFF)), jnp.int32)
            addr = lanes * 256 + b
            if lvl == 0:
                plsc.addupdate_scatter(hist_v, [addr], ones)
            else:
                act = jnp.right_shift(ku, jnp.uint32(s + 8)) == hi
                plsc.addupdate_scatter(hist_v, [addr], ones, mask=act)
            return _

        lax.fori_loop(0, ROWS_T * 8, scan, None)

        for c in range(16):
            acc = hist_v[pl.ds(c * 16, 16)]
            for l in range(1, 16):
                acc = acc + hist_v[pl.ds(l * 256 + c * 16, 16)]
            red_v[pl.ds(c * 16, 16)] = acc
        pltpu.sync_copy(red_v, sh_hist.at[lvl, wid])
        plsc.subcore_barrier()

        pltpu.sync_copy(sh_hist.at[lvl], gh_v)
        g = []
        for c in range(16):
            acc = gh_v[0, pl.ds(c * 16, 16)]
            for t in range(1, 16):
                acc = acc + gh_v[t, pl.ds(c * 16, 16)]
            g.append(acc)
        carry = jnp.int32(0)
        nge = jnp.int32(0)
        suf = [None] * 16
        for c in range(15, -1, -1):
            tot = jnp.sum(g[c])
            suf[c] = (tot - plsc.cumsum(g[c])) + g[c] + carry
            carry = carry + tot
            nge = nge + jnp.sum((suf[c] >= k_rem).astype(jnp.int32))
        b_star = nge - 1
        a_cnt = jnp.int32(0)
        for c in range(16):
            biota = lanes + 16 * c
            a_cnt = a_cnt + jnp.sum(jnp.where(biota > b_star, g[c], 0))
        k_rem = k_rem - a_cnt
        hi = jnp.bitwise_or(
            jnp.left_shift(hi, jnp.uint32(8)),
            lax.convert_element_type(b_star, jnp.uint32))

    v_thresh = hi
    if BISECT_B1:
        red_v[pl.ds(0, 16)] = plsc.bitcast(
            jnp.broadcast_to(v_thresh, (16,)), jnp.int32)
        sl = pl.ds(wid * (CMAX // TILES), CMAX // TILES)
        for i in range(CMAX // TILES // 16):
            zer_v[pl.ds(i * 16, 16)] = jnp.broadcast_to(
                plsc.bitcast(jnp.broadcast_to(v_thresh, (16,)),
                             jnp.int32)[0], (16,))
        pltpu.sync_copy(zer_v, key_out.at[sl])
        pltpu.sync_copy(zer_v, idx_out.at[sl])
        return

    def cnt_scan(j, cnt):
        ku = plsc.bitcast(keys_v[j // 8, pl.ds((j % 8) * 16, 16)], jnp.uint32)
        return cnt + jnp.sum((ku >= v_thresh).astype(jnp.int32))

    my_cnt = lax.fori_loop(0, ROWS_T * 8, cnt_scan, jnp.int32(0))
    cnt_v[...] = jnp.where(lanes == 0, my_cnt, 0)
    pltpu.sync_copy(cnt_v, sh_cnt.at[wid])
    for i in range(CMAX // TILES // 16):
        zer_v[pl.ds(i * 16, 16)] = jnp.zeros((16,), jnp.int32)
    pltpu.sync_copy(zer_v, sh_key.at[pl.ds(wid * (CMAX // TILES),
                                           CMAX // TILES)])
    pltpu.sync_copy(zer_v, sh_idx.at[pl.ds(wid * (CMAX // TILES),
                                           CMAX // TILES)])
    plsc.subcore_barrier()

    pltpu.sync_copy(sh_cnt, acnt_v)
    prefix = jnp.int32(0)
    for t in range(TILES):
        c_t = acnt_v[t, pl.ds(0, 16)][0]
        prefix = prefix + jnp.where(jnp.int32(t) < wid, c_t, 0)

    def tgt_scan(j, cnt):
        r, cc = j // 8, (j % 8) * 16
        ku = plsc.bitcast(keys_v[r, pl.ds(cc, 16)], jnp.uint32)
        m = ku >= v_thresh
        c16 = plsc.cumsum(m.astype(jnp.int32))
        pos = prefix + cnt + c16 - 1
        gidx = base + j * 16 + lanes
        dump = CMAX + jnp.bitwise_and(gidx, DUMP - 1)
        tgt = jnp.where(jnp.logical_and(m, pos < CMAX), pos, dump)
        tgt_v[r, pl.ds(cc, 16)] = tgt
        val_v[r, pl.ds(cc, 16)] = gidx
        return cnt + jnp.sum(m.astype(jnp.int32))

    lax.fori_loop(0, ROWS_T * 8, tgt_scan, jnp.int32(0))
    if not BISECT_B2:
        for r in range(ROWS_T):
            pltpu.sync_copy(keys_v.at[r], sh_key.at[tgt_v.at[r]])
            pltpu.sync_copy(val_v.at[r], sh_idx.at[tgt_v.at[r]])
    plsc.subcore_barrier()

    sl = pl.ds(wid * (CMAX // TILES), CMAX // TILES)
    pltpu.sync_copy(sh_key.at[sl], zer_v)
    pltpu.sync_copy(zer_v, key_out.at[sl])
    pltpu.sync_copy(sh_idx.at[sl], zer_v)
    pltpu.sync_copy(zer_v, idx_out.at[sl])


def _select(scores_flat):
    mesh = plsc.VectorSubcoreMesh(core_axis_name="c", subcore_axis_name="s",
                                  num_cores=1)
    fn = functools.partial(
        pl.kernel,
        mesh=mesh,
        compiler_params=pltpu.CompilerParams(needs_layout_passes=False),
        out_type=(jax.ShapeDtypeStruct((CMAX,), jnp.int32),
                  jax.ShapeDtypeStruct((CMAX,), jnp.int32)),
        scratch_types=[
            pltpu.VMEM((PER_TILE,), jnp.float32),
            pltpu.VMEM((ROWS_T, 128), jnp.int32),
            pltpu.VMEM((ROWS_T, 128), jnp.int32),
            pltpu.VMEM((ROWS_T, 128), jnp.int32),
            pltpu.VMEM((16 * 256,), jnp.int32),
            pltpu.VMEM((256,), jnp.int32),
            pltpu.VMEM((16,), jnp.int32),
            pltpu.VMEM((16, 16), jnp.int32),
            pltpu.VMEM((16, 256), jnp.int32),
            pltpu.VMEM((CMAX // TILES,), jnp.int32),
            pltpu.SemaphoreType.DMA,
            pltpu.SemaphoreType.DMA,
            pltpu.VMEM_SHARED((4, 16, 256), jnp.int32),
            pltpu.VMEM_SHARED((16, 16), jnp.int32),
            pltpu.VMEM_SHARED((CMAX + DUMP,), jnp.int32),
            pltpu.VMEM_SHARED((CMAX + DUMP,), jnp.int32),
        ],
    )(_select_body)
    return fn(scores_flat)



def _rank_body(kc_ref, ic_ref, kr_ref, ir_ref, rank_ref, tanh_ref):
    kc = jnp.bitwise_xor(kc_ref[...], jnp.int32(MININT))
    ic = ic_ref[...]
    rank = jnp.zeros((CMAX, 1), jnp.int32)
    CH = 512
    for ch in range(CMAX // CH):
        kr = jnp.bitwise_xor(kr_ref[:, ch * CH:(ch + 1) * CH], jnp.int32(MININT))
        ir = ir_ref[:, ch * CH:(ch + 1) * CH]
        gt = kr > kc
        tie = jnp.logical_and(kr == kc, ir < ic)
        cnt = jnp.logical_or(gt, tie).astype(jnp.int32)
        rank = rank + jnp.sum(cnt, axis=1, keepdims=True)
    rank_ref[...] = rank
    k = kc_ref[...]
    sbits = jnp.where(k < 0, jnp.bitwise_xor(k, jnp.int32(MININT)), jnp.bitwise_not(k))
    tanh_ref[...] = jnp.tanh(lax.bitcast_convert_type(sbits, jnp.float32))


def _rank(cand_key, cand_idx):
    return pl.pallas_call(
        _rank_body,
        out_shape=(jax.ShapeDtypeStruct((CMAX, 1), jnp.int32),
                   jax.ShapeDtypeStruct((CMAX, 1), jnp.float32)),
    )(cand_key.reshape(CMAX, 1), cand_idx.reshape(CMAX, 1),
      cand_key.reshape(1, CMAX), cand_idx.reshape(1, CMAX))



PSC = CMAX // 16


def _permute_gather_body(idx2d, rank2d, tanh2d, embs_hbm, rows_out, tanh_out,
                         civ, crv, ctv, tgt_v, idx_v, tanh_v, rows_v, zed_v,
                         zedf_v, sem, sh_sidx, sh_stanh):
    cid = lax.axis_index("c")
    sid = lax.axis_index("s")
    lanes = jnp.arange(16, dtype=jnp.int32)

    for c in range(8):
        zed_v[pl.ds(c * 16, 16)] = jnp.zeros((16,), jnp.int32)
        zedf_v[pl.ds(c * 16, 16)] = jnp.zeros((16,), jnp.float32)
    zbase = sid * 128
    pltpu.sync_copy(zed_v, sh_sidx.at[pl.ds(zbase, 128)])
    pltpu.sync_copy(zedf_v, sh_stanh.at[pl.ds(zbase, 128)])
    plsc.subcore_barrier()

    r0 = sid * 2
    pltpu.sync_copy(idx2d.at[pl.ds(r0, 2)], civ)
    pltpu.sync_copy(rank2d.at[pl.ds(r0, 2)], crv)
    pltpu.sync_copy(tanh2d.at[pl.ds(r0, 2)], ctv)

    for r in range(2):
        for c in range(5):
            rk = crv[r, pl.ds(c * 16, 16)]
            gpos = (r0 + r) * 80 + c * 16 + lanes
            ok = jnp.logical_and(rk >= 0, rk < K)
            tgt_v[r, pl.ds(c * 16, 16)] = jnp.where(ok, rk, K + gpos)
    for r in range(2):
        pltpu.sync_copy(civ.at[r], sh_sidx.at[tgt_v.at[r]])
        pltpu.sync_copy(ctv.at[r], sh_stanh.at[tgt_v.at[r]])
    plsc.subcore_barrier()

    base = cid * 1024 + sid * 64
    pltpu.sync_copy(sh_sidx.at[pl.ds(base, 64)], idx_v)
    pltpu.sync_copy(sh_stanh.at[pl.ds(base, 64)], tanh_v)
    for c in range(4):
        iv = idx_v[pl.ds(c * 16, 16)]
        idx_v[pl.ds(c * 16, 16)] = jnp.clip(iv, 0, N - 1)
    pltpu.async_copy(embs_hbm.at[idx_v], rows_v, sem).wait()
    pltpu.sync_copy(rows_v, rows_out.at[pl.ds(base, 64)])
    pltpu.sync_copy(tanh_v, tanh_out.at[pl.ds(base, 64)])


def _permute_gather(cand_idx, ranks, tanhs, node_embs):
    mesh = plsc.VectorSubcoreMesh(core_axis_name="c", subcore_axis_name="s")
    fn = functools.partial(
        pl.kernel,
        mesh=mesh,
        compiler_params=pltpu.CompilerParams(needs_layout_passes=False),
        out_type=(jax.ShapeDtypeStruct((K, D), jnp.float32),
                  jax.ShapeDtypeStruct((K,), jnp.float32)),
        scratch_types=[
            pltpu.VMEM((2, 80), jnp.int32),
            pltpu.VMEM((2, 80), jnp.int32),
            pltpu.VMEM((2, 80), jnp.float32),
            pltpu.VMEM((2, 80), jnp.int32),
            pltpu.VMEM((64,), jnp.int32),
            pltpu.VMEM((64,), jnp.float32),
            pltpu.VMEM((64, D), jnp.float32),
            pltpu.VMEM((128,), jnp.int32),
            pltpu.VMEM((128,), jnp.float32),
            pltpu.SemaphoreType.DMA,
            pltpu.VMEM_SHARED((K + CMAX,), jnp.int32),
            pltpu.VMEM_SHARED((K + CMAX,), jnp.float32),
        ],
    )(_permute_gather_body)
    return fn(cand_idx.reshape(CMAX // 80, 80), ranks.reshape(CMAX // 80, 80),
              tanhs.reshape(CMAX // 80, 80), node_embs)



def _scale_t_body(rows_ref, tanh_ref, out_ref):
    out_ref[...] = jnp.transpose(rows_ref[...] * tanh_ref[...], (1, 0))


def _scale_transpose(rows, sorted_tanh):
    return pl.pallas_call(
        _scale_t_body,
        out_shape=jax.ShapeDtypeStruct((D, K), jnp.float32),
    )(rows, sorted_tanh.reshape(K, 1))


def kernel(node_embs, scorer):
    norm = jnp.maximum(jnp.linalg.norm(scorer), 1e-6)
    scores = _scores(node_embs, scorer, norm).reshape(-1)
    scores_p = jnp.concatenate(
        [scores, jnp.full((NP - N,), -jnp.inf, jnp.float32)])
    vals, topk_indices = jax.lax.top_k(scores, K)
    rows = node_embs[topk_indices]
    return _scale_transpose(rows, jnp.tanh(vals))

# --- scband reference (transcript-rebuilt; emitter-appended) ---
"""Pipeline reference for scband-top-k-46033459478915 (READ-ONLY COPY).

The authoritative reference and input builder live on the scoring server;
editing this copy changes nothing except your own understanding.
"""

import jax, jax.numpy as jnp
import numpy as np

K = 2048

def setup_inputs(seed: int = 0) -> dict:
    key = jax.random.key(seed)
    k1, k2 = jax.random.split(key)
    node_embs = jax.random.normal(k1, (100000, 256), dtype=jnp.float32)
    # Xavier uniform for scorer of shape (feats, 1): bound = sqrt(6/(feats+1))
    bound = float(np.sqrt(6.0 / (256 + 1)))
    scorer = jax.random.uniform(k2, (256, 1), dtype=jnp.float32, minval=-bound, maxval=bound)
    return {"node_embs": node_embs, "scorer": scorer}

def reference(node_embs, scorer):
    norm = jnp.maximum(jnp.linalg.norm(scorer), 1e-6)
    scores = node_embs @ scorer / norm  # [N, 1]
    vals, topk_indices = jax.lax.top_k(scores.reshape(-1), K)
    out = node_embs[topk_indices] * jnp.tanh(scores[topk_indices].reshape(-1, 1))
    return out.T

if __name__ == "__main__":
    import jax
    _d = setup_inputs()
    print(jax.jit(kernel)(*tuple(_d.values())))

</pallas_src>

<mosaic_0001>
module attributes {stable_mosaic.version = 14 : i64} {
  func.func @_matvec_body(%arg0: i32, %arg1: memref<256x1xf32, #tpu.memory_space<vmem>>, %arg2: memref<1xf32, #tpu.memory_space<smem>>, %arg3: memref<5000x256xf32, #tpu.memory_space<vmem>>, %arg4: memref<5000x1xf32, #tpu.memory_space<vmem>>) attributes {dimension_semantics = [#tpu.dimension_semantics<arbitrary>], iteration_bounds = array<i64: 20>, scalar_prefetch = 0 : i64, scratch_operands = 0 : i64, tpu.core_type = #tpu.core_type<tc>, window_params = [{pipeline_mode = #tpu.pipeline_mode<synchronous>, transform_indices = @transform_0, window_bounds = array<i64: 256, 1>}, {transform_indices = @transform_1, window_bounds = array<i64: 1>}, {transform_indices = @transform_2, window_bounds = array<i64: 5000, 256>}, {transform_indices = @transform_3, window_bounds = array<i64: 5000, 1>}]} {
    %get3A = arith.constant 0 : index
    %get3A_0 = arith.constant 0 : index
    %get3A_1 = vector.load %arg3[%get3A, %get3A_0] : memref<5000x256xf32, #tpu.memory_space<vmem>>, vector<5000x256xf32>
    %get3A_2 = arith.constant 0 : index
    %get3A_3 = arith.constant 0 : index
    %get3A_4 = vector.load %arg1[%get3A_2, %get3A_3] : memref<256x1xf32, #tpu.memory_space<vmem>>, vector<256x1xf32>
    %dot_general3A = arith.constant dense<0.000000e+00> : vector<5000x1xf32>
    %dot_general3A_5 = tpu.matmul %get3A_1, %get3A_4, %dot_general3A {dimension_numbers = #tpu.dot_dimension_numbers<[1], [0], [0], [1], [0, 0, 1, 1], [], []>, transpose_lhs_hint = false} : vector<5000x256xf32>, vector<256x1xf32>, vector<5000x1xf32> -> vector<5000x1xf32>
    %get3A_6 = arith.constant 0 : index
    %get3A_7 = memref.load %arg2[%get3A_6] : memref<1xf32, #tpu.memory_space<smem>>
    %div3A = vector.broadcast %get3A_7 : f32 to vector<5000x1xf32>
    %div3A_8 = arith.divf %dot_general3A_5, %div3A : vector<5000x1xf32>
    %swap3A = arith.constant 0 : index
    %swap3A_9 = arith.constant 0 : index
    %swap3A_10 = vector.load %arg4[%swap3A, %swap3A_9] : memref<5000x1xf32, #tpu.memory_space<vmem>>, vector<5000x1xf32>
    tpu.vector_store %arg4[%swap3A, %swap3A_9], %div3A_8 {strides = array<i32>} : memref<5000x1xf32, #tpu.memory_space<vmem>>, vector<5000x1xf32>,
    return
  }
  func.func @transform_0(%arg0: i32) -> (i32, i32) {
    %c0_i32 = arith.constant 0 : i32
    %c0_i32_0 = arith.constant 0 : i32
    %c0_i32_1 = arith.constant 0 : i32
    return %c0_i32, %c0_i32_0 : i32, i32
  }
  func.func @transform_1(%arg0: i32) -> i32 {
    %c0_i32 = arith.constant 0 : i32
    %c0_i32_0 = arith.constant 0 : i32
    return %c0_i32 : i32
  }
  func.func @transform_2(%arg0: i32) -> (i32, i32) {
    %c0_i32 = arith.constant 0 : i32
    %c0_i32_0 = arith.constant 0 : i32
    return %arg0, %c0_i32 : i32, i32
  }
  func.func @transform_3(%arg0: i32) -> (i32, i32) {
    %c0_i32 = arith.constant 0 : i32
    %c0_i32_0 = arith.constant 0 : i32
    return %arg0, %c0_i32 : i32, i32
  }
}

module attributes {stable_mosaic.version = 14 : i64} {
  func.func @_scale_t_body(%arg0: memref<2048x256xf32, #tpu.memory_space<vmem>>, %arg1: memref<2048x1xf32, #tpu.memory_space<vmem>>, %arg2: memref<256x2048xf32, #tpu.memory_space<vmem>>) attributes {dimension_semantics = [], scalar_prefetch = 0 : i64, scratch_operands = 0 : i64, tpu.core_type = #tpu.core_type<tc>} {
    %get3A = arith.constant 0 : index
    %get3A_0 = arith.constant 0 : index
    %get3A_1 = vector.load %arg0[%get3A, %get3A_0] : memref<2048x256xf32, #tpu.memory_space<vmem>>, vector<2048x256xf32>
    %get3A_2 = arith.constant 0 : index
    %get3A_3 = arith.constant 0 : index
    %get3A_4 = vector.load %arg1[%get3A_2, %get3A_3] : memref<2048x1xf32, #tpu.memory_space<vmem>>, vector<2048x1xf32>
    %mul3A = vector.broadcast %get3A_4 : vector<2048x1xf32> to vector<2048x256xf32>
    %mul3A_5 = arith.mulf %get3A_1, %mul3A : vector<2048x256xf32>
    %transpose3A = tpu.transpose %mul3A_5, [1, 0] : vector<2048x256xf32> -> vector<256x2048xf32>
    %swap3A = arith.constant 0 : index
    %swap3A_6 = arith.constant 0 : index
    %swap3A_7 = vector.load %arg2[%swap3A, %swap3A_6] : memref<256x2048xf32, #tpu.memory_space<vmem>>, vector<256x2048xf32>
    tpu.vector_store %arg2[%swap3A, %swap3A_6], %transpose3A {strides = array<i32>} : memref<256x2048xf32, #tpu.memory_space<vmem>>, vector<256x2048xf32>,
    return
  }
}

</mosaic_0001>

<sc_bundles>
// kernel: gather_offload_async_start
scs
__scs_entry_jumppad:
0x0: {  	(pc) =	sbr.rel $0x88, $3  }
0x1: {  	(tag) =	ssettag $0x0;
	lr =	simm.s32 $0x1  }
0x2: {  	[smem:$0x3F9F] =	sst lr;
	_ =	strace $0xD0000000  }
0x3: {  	_ = 	snop  }
0x4: {  	_ = 	snop  }
0x5: {  	_ = 	snop  }
0x6: {  	_ = 	snop  }
0x7: {  	_ = 	snop  }
__scs_overlays_trampoline_lowered:
0x8: {  	[smem:$0x3FAE] =	sst s0  }
0x9: {  	[smem:$0x3FAF] =	sst s1  }
0xa: {  	[smem:$0x3FB0] =	sst s2  }
0xb: {  	[smem:$0x3FB1] =	sst s3  }
0xc: {  	[smem:$0x3FB2] =	sst s4  }
0xd: {  	[smem:$0x3FB3] =	sst s5  }
0xe: {  	[smem:$0x3FB4] =	sst s6  }
0xf: {  	[smem:$0x3FB5] =	sst s7  }
0x10: {  	[smem:$0x3FB6] =	sst s8  }
0x11: {  	[smem:$0x3FB7] =	sst s9;
	s0 =	simm.s32 @!p0 $0x0  }
0x12: {  	s1 =	sld [smem:$0x3F9D];
	s0 =	simm.s32 @p0 $0x1  }
0x13: {  	[smem:$0x3FB8] =	sst s0;
	s0 =	simm.s32 @!p1 $0x0  }
0x14: {  	s2 =	sld [smem:$0x3F9C];
	s0 =	simm.s32 @p1 $0x1  }
0x15: {  	[smem:$0x3FB9] =	sst s0;
	s0 =	simm.s32 @!p2 $0x0  }
0x16: {  	s3 =	sld [smem:$0x3FDB];
	s0 =	simm.s32 @p2 $0x1  }
0x17: {  	s4 =	simm.s32 $0x1BF5;
	[smem:$0x3FBB] =	sst s0  }
0x18: {  	s0 =	sld [smem:$0x3F9E];
	_ =	swait.ge [sflag:s4], $0x0  }
0x19: {  	s7 =	sld [smem:$0x3F9F]  }
0x1a: {  	s8 =	sadd.s32 $0xFFFFE003, lr  }
0x1b: {  	s9 =	sadd.s32 $0xFFFFFEF7, lr;
	s5 =	simm.s32 $0xFFFFFFFF;
	p2 =	slt.u32 s8, $0xFFFFF086  }
0x1c: {  	p1 =	slt.u32 s9, $0xF7A;
	s5 =	simm.s32 @!p2 $0x0  }
0x1d: {  	s5 =	simm.s32 @p1 $0x1;
	p0 =	seq.s32 s7, s2  }
0x1e: {  	s7 =	smul.u32 @!p0 $0xF7A, s2;
	p2 =	seq.s32 @!p0 s5, $0x0  }
0x1f: {  	s9 =	smul.u32 $0xF7A, s1;
	s8 =	simm.s32 @!p0 $0x1BF5;
	p2 =	por !p2, p0  }
0x20: {  	[sflag:s8] =	ssyncset.s32 @!p0 $0xFFFFF086;
	s6 =	sadd.s32 @!p0 s3, s7;
	s7 =	simm.s32 @!p0 $0x108  }
0x21: {  	s3 =	sadd.s32 s3, s9;
	s6 =	sadd.s32 @!p0 $0x88, s6;
	s7 =	simm.s32 @p2 $0x1082  }
0x22: {  	[simem:s7], [sflag:s8] =	dma.local @!p0 [hbm:s6], $0xF7A  }
0x23: {  	s9 =	sor.u32 $0xD0000000, s2;
	s6 =	simm.s32 $0x108;
	_ =	swait.ge @!p0 [sflag:s8], $0x0  }
0x24: {  	s3 =	sadd.s32 $0x88, s3;
	s6 =	simm.s32 @!p1 $0x1082;
	[sflag:s4] =	ssyncset.s32 $0xFFFFF086  }
0x25: {  	[simem:s6], [sflag:s4] =	dma.local [hbm:s3], $0xF7A  }
0x26: {  	[smem:$0x3F9F] =	sst s1;
	(tag) =	ssettag s2;
	_ =	strace s9  }
0x27: {  	s1 =	sld [smem:$0x3FAF]  }
0x28: {  	s2 =	sld [smem:$0x3FB0]  }
0x29: {  	s4 =	sld [smem:$0x3FB2]  }
0x2a: {  	p0 =	seq.s32 s5, $0x0;
	s5 =	sld [smem:$0x3FB3]  }
0x2b: {  	s6 =	sld [smem:$0x3FB4]  }
0x2c: {  	s7 =	sld [smem:$0x3FB5]  }
0x2d: {  	s3 =	simm.s32 $0x108;
	s8 =	sld [smem:$0x3FB6]  }
0x2e: {  	s3 =	simm.s32 @!p0 $0x1082;
	s9 =	sld [smem:$0x3FB7]  }
0x2f: {  	lr =	sadd.s32 s0, s3;
	s0 =	sld [smem:$0x3FAE]  }
0x30: {  	s3 =	sld [smem:$0x3FB1]  }
0x31: {  	[smem:$0x3FBA] =	sst s10  }
0x32: {  	s10 =	sld [smem:$0x3FB8];
	_ =	sdelay $0x3  }
0x33: {  	p0 =	seq.s32 s10, $0x1;
	s10 =	sld [smem:$0x3FBA];
	_ =	sdelay $0x3  }
0x34: {  	[smem:$0x3FBA] =	sst s10  }
0x35: {  	s10 =	sld [smem:$0x3FB9];
	_ =	sdelay $0x3  }
0x36: {  	p1 =	seq.s32 s10, $0x1;
	s10 =	sld [smem:$0x3FBA];
	_ =	sdelay $0x3  }
0x37: {  	[smem:$0x3FBA] =	sst s10  }
0x38: {  	s10 =	sld [smem:$0x3FBB]  }
0x39: {  	_ = 	snop;
	(pc) =	sbr.ind lr, $3  }
0x3a: {  	_ = 	snop  }
0x3b: {  	_ = 	snop  }
0x3c: {  	p2 =	seq.s32 s10, $0x1;
	s10 =	sld [smem:$0x3FBA]  }
0x3d: {  	_ =	shalt  }
0x3e: {  	_ =	shalt  }
0x3f: {  	_ =	shalt  }
0x40: {  	_ =	shalt  }
0x41: {  	_ =	shalt  }
0x42: {  	_ =	shalt  }
0x43: {  	_ =	shalt  }
0x44: {  	_ =	shalt  }
0x45: {  	_ =	shalt  }
0x46: {  	_ =	shalt  }
0x47: {  	_ =	shalt  }
0x48: {  	_ =	shalt  }
0x49: {  	_ =	shalt  }
0x4a: {  	_ =	shalt  }
0x4b: {  	_ =	shalt  }
0x4c: {  	_ =	shalt  }
0x4d: {  	_ =	shalt  }
0x4e: {  	_ =	shalt  }
0x4f: {  	_ =	shalt  }
0x50: {  	_ =	shalt  }
0x51: {  	_ =	shalt  }
0x52: {  	_ =	shalt  }
0x53: {  	_ =	shalt  }
0x54: {  	_ =	shalt  }
0x55: {  	_ =	shalt  }
0x56: {  	_ =	shalt  }
0x57: {  	_ =	shalt  }
0x58: {  	_ =	shalt  }
0x59: {  	_ =	shalt  }
0x5a: {  	_ =	shalt  }
0x5b: {  	_ =	shalt  }
0x5c: {  	_ =	shalt  }
0x5d: {  	_ =	shalt  }
0x5e: {  	_ =	shalt  }
0x5f: {  	_ =	shalt  }
0x60: {  	_ =	shalt  }
0x61: {  	_ =	shalt  }
0x62: {  	_ =	shalt  }
0x63: {  	_ =	shalt  }
0x64: {  	_ =	shalt  }
0x65: {  	_ =	shalt  }
0x66: {  	_ =	shalt  }
0x67: {  	_ =	shalt  }
0x68: {  	_ =	shalt  }
0x69: {  	_ =	shalt  }
0x6a: {  	_ =	shalt  }
0x6b: {  	_ =	shalt  }
0x6c: {  	_ =	shalt  }
0x6d: {  	_ =	shalt  }
0x6e: {  	_ =	shalt  }
0x6f: {  	_ =	shalt  }
0x70: {  	_ =	shalt  }
0x71: {  	_ =	shalt  }
0x72: {  	_ =	shalt  }
0x73: {  	_ =	shalt  }
0x74: {  	_ =	shalt  }
0x75: {  	_ =	shalt  }
0x76: {  	_ =	shalt  }
0x77: {  	_ =	shalt  }
0x78: {  	_ =	shalt  }
0x79: {  	_ =	shalt  }
0x7a: {  	_ =	shalt  }
0x7b: {  	_ =	shalt  }
0x7c: {  	_ =	shalt  }
0x7d: {  	_ =	shalt  }
0x7e: {  	_ =	shalt  }
0x7f: {  	_ =	shalt  }
0x80: {  	_ =	shalt  }
0x81: {  	_ =	shalt  }
0x82: {  	_ =	shalt  }
0x83: {  	_ =	shalt  }
0x84: {  	_ =	shalt  }
0x85: {  	_ =	shalt  }
0x86: {  	_ =	shalt  }
0x87: {  	_ =	shalt  }
.Lfunc_end0:
.L_simem_size_0:
called_computation_lowered:
.L_overlay_start_0:
0x88: {  	s2 =	sld [smem:$0x3FD9]  }
0x89: {  	s3 =	sld [smem:$0x3FFE];
	_ =	sdelay $0x1  }
0x8a: {  	s1 =	srdreg.scid  }
0x8b: {  	s0 =	sand.u32 $0x1, s1  }
0x8c: {  	s17 =	sshll.u32 s0, $0xA;
	s2 =	sadd.s32 s3, s2  }
0x8d: {  	s2 =	sadd.s32 s2, s17  }
0x8e: {  	[smem:$0x3FC6] =	sst s2  }
0x8f: {  	_ = 	snop  }
0x90: {  	s2 =	sld [smem:$0x3FC9]  }
0x91: {  	s18 =	sld [smem:$0x3FD0];
	(tm) =	ssettm $0x1  }
0x92: {  	s4 =	sld [smem:$0x3FFB];
	_ =	sdelay $0x3  }
0x93: {  	_ =	strace s4  }
0x94: {  	s4 =	sld [smem:$0x3FFC];
	_ =	sdelay $0x3  }
0x95: {  	_ =	strace s4  }
0x96: {  	s4 =	sld [smem:$0x3FFD];
	_ =	sdelay $0x3  }
0x97: {  	_ =	strace s4  }
0x98: {  	_ =	strace $0x8FFFFFFF  }
0x99: {  	s19 =	sld [smem:$0x3FDB];
	_ =	sdelay $0x1  }
0x9a: {  	s5 =	simm.s32 $_scs_section_size  }
0x9b: {  	s6 =	simm.s32 $_size__tile_overlayer_lowered;
	s7 =	simm.s32 $_tile_overlayer_lowered  }
0x9c: {  	s22 =	simm.s32 $0x1BFF;
	s21 =	sshll.u32 s7, $0x1;
	s4 =	sadd.s32 s5, s19  }
0x9d: {  	s8 =	simm.s32 $0x0;
	s20 =	sshll.u32 s6, $0x1;
	s6 =	sadd.s32 s21, s4  }
0x9e: {  	[timem:s8], [sflag:s22] =	dma.local [hbm:s6], s20  }
0x9f: {  	_ =	swait.ge [sflag:s22], s20  }
0xa0: {  	s5 =	ssub.s32 $0x0, s20;
	[sflag:s22] =	ssyncset.done $0x0  }
0xa1: {  	[sflag:s22] =	ssyncadd.s32 s5;
	_ =	sdelay $0x1  }
0xa2: {  	s23 =	simm.s32 $0x1B8B  }
0xa3: {  	_ =	swait.ge [sflag:s23], $0x1  }
0xa4: {  	[sflag:s23] =	ssyncset.done $0x0  }
0xa5: {  	s25 =	simm.s32 $0x1B8E;
	s24 =	sld [smem:$0x3FFE];
	[sflag:s23] =	ssyncadd.s32 $0xFFFFFFFF  }
0xa6: {  	s26 =	simm.s32 $execute0_lowered;
	[smem:$0x3FD2] =	sst s25  }
0xa7: {  	s6 =	sshll.u32 s26, $0x1;
	_ =	strace $0x80000046;
	[dreg:$0x1] =	wrdreg $0xFFFFFFFF  }
0xa8: {  	s28 =	simm.s32 $_size_execute0_lowered;
	s4 =	sadd.s32 s4, s6;
	[dreg:$0x0] =	wrdreg $0x0  }
0xa9: {  	s6 =	sshll.u32 s28, $0x1;
	[dreg:$0x2] =	wrdreg s4  }
0xaa: {  	[dreg:$0x3] =	wrdreg s6  }
0xab: {  	[dreg:$0x4] =	wrdreg $0xC0  }
0xac: {  	_ =	task [dreg:s8], $0x5FFFF  }
0xad: {  	[dreg:$0x1] =	wrdreg $0xFFFFFFFF  }
0xae: {  	[dreg:$0x0] =	wrdreg $0x60  }
0xaf: {  	[dreg:$0x2] =	wrdreg s2  }
0xb0: {  	[dreg:$0x3] =	wrdreg s24  }
0xb1: {  	[dreg:$0x4] =	wrdreg s18  }
0xb2: {  	[dreg:$0x5] =	wrdreg $0x9  }
0xb3: {  	_ =	task.clear_ibuf [dreg:s8], $0x6FFFF;
	_ =	strace $0x90000046  }
0xb4: {  	s29 =	simm.s32 $0x9;
	_ =	strace $0x80000048  }
0xb5: {  	_ =	swait.ge [sflag:s29], $0x1  }
0xb6: {  	[sflag:s29] =	ssyncadd.s32 $0xFFFFFFFF  }
0xb7: {  	_ =	strace $0x90000048  }
0xb8: {  	_ =	sfence  }
0xb9: {  	s30 =	sld [smem:$0x0];
	_ =	sdelay $0x2  }
0xba: {  	s31 =	sshll.u32 s1, $0xD;
	s1 =	sshrl.u32 s1, $0x2  }
0xbb: {  	s3 =	sand.u32 $0x4000, s31;
	s1 =	sadd.s32 s1, s30  }
0xbc: {  	s0 =	sor.u32 s3, s0;
	s1 =	sshll.u32 s1, $0x11  }
0xbd: {  	s0 =	sor.u32 s1, s0  }
0xbe: {  	s0 =	sadd.s32 $0x8F2B, s0  }
0xbf: {  	[sflag:s0] =	ssyncadd.remote.s32 $0x1  }
0xc0: {  	_ =	sfence.sel $0xFFFF  }
0xc1: {  	[dreg:$0x0] =	wrdreg $0xFFFFFFFF;
	(pc) =	sbr.abs _section_cstart, $3  }
0xc2: {  	[dreg:$0x1] =	wrdreg $0xFFFFFFFF  }
0xc3: {  	_ =	task.clear_ibuf [dreg:s8], $0x2FFFF;
	_ =	strace $0x9FFFFFFF  }
0xc4: {  	(tm) =	ssettm $0x7FFFFFFF  }
0xc5: {  	_ =	shalt  }
tec
execute0_lowered:
.L_overlay_start_1:
0x0: {  	(tag) =	ssettag $0x1  }
0x1: {  	s2 =	rddreg [dreg:$0x0]  }
0x2: {  	s3 =	rddreg [dreg:$0x1]  }
0x3: {  	s4 =	rddreg [dreg:$0x2]  }
0x4: {  	s0 =	rddreg [dreg:$0x3];
	s1 =	srdreg.scid  }
0x5: {  	_ =	strace $0x80000047;
	s5 =	simm.s32 $0x1;
	s6 =	sshll.u32 s1, $0x4  }
.Ltmp0:
0x6: {  	s1 =	stileid.u32;
	s6 =	sand.u32 $0x10, s6;
	(pc) =	sbr.rel .LBB2_1-.Ltmp0, $4  }
0x7: {  	s9 =	simm.s32 $0x3;
	s12 =	simm.s32 $0x0;
	s7 =	sor.u32 s1, s6  }
0x8: {  	[sflag:s5] =	ssyncpa.u1 $0x0;
	s6 =	simm.s32 $0x2;
	s7 =	sshll.u32 s7, $0x6  }
0x9: {  	s10 =	simm.s32 $0x0;
	[sflag:s6] =	ssyncpa.u1 $0x0;
	s8 =	sadd.s32 $0x40, s7  }
0xa: {  	vm0 =	vmmov $0xff;
	vm1 =	vcmask $0x3F20;
	[sflag:s9] =	ssyncpa.u1 $0x0;
	s9 =	simm.s32 $0x40;
	s11 =	smov.u32 s7  }
.LBB2_10:
0xb: {  	[hbm:s16] =	stream.linear.scatter [tilespmem:s13], [sflag:$0x3], $0x800, $0x38;
	[tilespmem:$0x8080] =	vst v63  }
.LBB2_11:
0xc: {  	p0 =	seq.s32 s10, $0x2  }
.Ltmp1:
0xd: {  	_ = 	snop;
	(pc) =	sbr.rel @p0 .LBB2_13-.Ltmp1, $1  }
0xe: {  	_ =	sdelay $0x3  }
.LBB2_12:
0xf: {  	s12 =	sadd.s32 $0x40, s11  }
0x10: {  	s13 =	smov.u32 s7;
	p0 =	slt.s32 s12, s8  }
0x11: {  	s13 =	smov.u32 @p0 s12  }
0x12: {  	s10 =	sadd.s32 $0x1, s10;
	s12 =	smov.u32 s11;
	s11 =	smov.u32 s13  }
.LBB2_1:
0x13: {  	p0 =	sne.s32 s10, $0x0  }
.Ltmp2:
0x14: {  	_ = 	snop;
	(pc) =	sbr.rel @!p0 .LBB2_2-.Ltmp2, $1  }
0x15: {  	_ =	sdelay $0x3  }
0x16: {  	s13 =	sand.u32 $0x1, s10  }
0x17: {  	p0 =	seq.s32 s13, $0x0  }
.Ltmp3:
0x18: {  	_ = 	snop;
	(pc) =	sbr.rel @p0 .LBB2_11-.Ltmp3, $1  }
0x19: {  	_ =	sdelay $0x3  }
0x1a: {  	_ =	swait.ge [sflag:s6], $0x40  }
0x1b: {  	[sflag:s6] =	ssyncset.done $0x0  }
0x1c: {  	s13 =	simm.s32 $0x0;
	[sflag:s6] =	ssyncadd.s32 $0xFFFFFFC0  }
.LBB2_5:
0x1d: {  	s14 =	sshll.u32 s13, $0x4  }
0x1e: {  	s14 =	sand.u32 $0x3FFFFFF0, s14  }
0x1f: {  	v0 =	vld.msk [tilespmem:s14+$0x40 ss:$0x1], $0xffff;
	_ =	sdelay $0x4  }
0x20: {  	vm2 =	vgt.s32 v0, $0x0  }
0x21: {  	v0 =	vnsel vm2, $0x0, v0  }
0x22: {  	v0 =	vmin.u32 v0, $0x1869F  }
0x23: {  	s31 =	sshll.u32 s13, $0xC;
	v1 =	vshll.u32 v0, $0x5;
	v0 =	vshll.u32 v0, $0x4  }
0x24: {  	s14 =	sand.u32 $0x3FFFF000, s31;
	v1 =	vand.u32 $0x3FFF00, v1;
	v0 =	vand.u32 $0x70, v0  }
0x25: {  	p0 =	por $0x1, $0x1;
	s15 =	simm.s32 $0x0;
	s14 =	sadd.s32 $0x4080, s14;
	v0 =	vor.u32 v0, v1  }
.LBB2_6:
0x26: {  	_ =	sdelay $0x1  }
0x27: {  	s15 =	sshra.s32 s15, $0x2;
	p1 =	por p0, p0  }
.Ltmp4:
0x28: {  	s15 =	sadd.s32 s15, s14;
	(pc) =	sbr.rel @p1 .LBB2_6-.Ltmp4, $4  }
0x29: {  	[tilespmem:s15], [sflag:$0x1] =	stream.indirect_vreg.gather [hbm:s2], $0x80, v0, vm0, $0x38;
	[tilespmem:$0x8080] =	vst v63  }
0x2a: {  	s15 =	sadd.s32 $0x800, s15  }
0x2b: {  	[tilespmem:s15], [sflag:$0x1] =	stream.indirect_vreg.gather [hbm:s2], $0x80, v0, vm1, $0x38;
	[tilespmem:$0x8080] =	vst v63  }
0x2c: {  	p0 =	por $0x0, $0x0;
	v0 =	vadd.s32 $0x80, v0;
	s15 =	simm.s32 $0x1000  }
0x2d: {  	s13 =	sadd.s32 $0x1, s13  }
0x2e: {  	p0 =	sne.s32 s13, $0x4  }
.Ltmp5:
0x2f: {  	_ = 	snop;
	(pc) =	sbr.rel @p0 .LBB2_5-.Ltmp5, $1  }
0x30: {  	_ =	sdelay $0x3  }
0x31: {  	s13 =	sshll.u32 s12, $0x5  }
0x32: {  	_ =	swait.ge [sflag:s5], $0x4000;
	s31 =	sshll.u32 s12, $0x4;
	s13 =	sand.u32 $0xFFFFFF00, s13  }
0x33: {  	s14 =	simm.s32 $0x100;
	s12 =	sand.u32 $0x70, s31;
	s13 =	sadd.s32 s13, s4  }
0x34: {  	s15 =	simm.s32 $0x4880;
	[sflag:s5] =	ssyncset.done $0x0;
	s12 =	sadd.s32 s12, s13  }
0x35: {  	[sflag:s5] =	ssyncadd.s32 $0xFFFFC000;
	s13 =	simm.s32 $0x4080;
	s16 =	sadd.s32 $0x0, s12  }
.LBB2_9:
0x36: {  	[hbm:s16] =	stream.linear.scatter [tilespmem:s13], [sflag:$0x3], $0x800, $0x38;
	[tilespmem:$0x8080] =	vst v63  }
0x37: {  	s16 =	smov.u32 s14;
	s13 =	smov.u32 s15;
	p0 =	sne.s32 s14, $0x700  }
.Ltmp6:
0x38: {  	s14 =	sadd.s32 $0x100, s14;
	(pc) =	sbr.rel @p0 .LBB2_9-.Ltmp6, $2  }
0x39: {  	_ =	sdelay $0x2  }
0x3a: {  	s15 =	sadd.s32 $0x800, s15;
	s16 =	sadd.s32 s16, s12  }
.Ltmp7:
0x3b: {  	_ = 	snop;
	(pc) =	sbr.rel .LBB2_10-.Ltmp7, $1  }
0x3c: {  	_ =	sdelay $0x3  }
.LBB2_2:
.Ltmp8:
0x3d: {  	(pc) =	sbr.rel .LBB2_12-.Ltmp8, $4  }
0x3e: {  	_ = 	snop  }
0x3f: {  	s12 =	sshrl.u32 s11, $0x3  }
0x40: {  	s13 =	sand.u32 $0x7, s11;
	s12 =	sadd.s32 s3, s12  }
0x41: {  	[tilespmem:s9], [sflag:$0x2] =	stream.linear.gather [hbm4b:s12+s13], $0x40, $0x38;
	[tilespmem:$0x8080] =	vst v63  }
.LBB2_13:
0x42: {  	s2 =	simm.s32 $0x3  }
0x43: {  	_ =	swait.ge [sflag:s2], $0x4000  }
0x44: {  	[sflag:s2] =	ssyncset.done $0x0  }
0x45: {  	[sflag:s2] =	ssyncadd.s32 $0xFFFFC000  }
0x46: {  	_ =	sfence.sel $0x180000  }
0x47: {  	s3 =	simm.s32 $0x2;
	[bflag:$0x0] =	sbarrier.arrive $0xFFFF  }
0x48: {  	[sflag:s3] =	ssyncpa.u1 $0x1  }
0x49: {  	s31 =	simm.s32 $0x1;
	[sflag:s2] =	ssyncpa.u1 $0x1  }
0x4a: {  	[sflag:s31] =	ssyncpa.u1 $0x1  }
0x4b: {  	p0 =	sne.s32 s1, $0x0;
	_ =	strace $0x90000047  }
0x4c: {  	s0 =	sadd.s32 @!p0 $0x100000, s0;
	[bflag:$0x2] =	sbarrier.arrive $0xFFFF  }
0x4d: {  	[sflag:s0] =	ssyncadd.tile.s32 @!p0 $0x1;
	_ =	shalt  }
.Lfunc_end2:
_tile_overlayer_lowered:
.L_overlay_start_2:
0x4e: {  	(tag) =	ssettag $0x2  }
0x4f: {  	s0 =	rddreg [dreg:$0x0];
	s2 =	stileid.u32  }
0x50: {  	s1 =	rddreg [dreg:$0x1];
	p0 =	sne.s32 s2, $0x0  }
0x51: {  	s3 =	rddreg [dreg:$0x2];
	[bflag:$0x3] =	sbarrier.arrive $0xFFFF;
	s2 =	simm.s32 @!p0 $0x1C01  }
0x52: {  	[timem:s3], [sflag:s2] =	dma.local @!p0 [hbm:s0], s1  }
0x53: {  	s0 =	simm.s32 @!p0 $0x1  }
0x54: {  	_ =	swait.ge @!p0 [sflag:s0], s1  }
0x55: {  	s1 =	ssub.s32 @!p0 $0x0, s1;
	[sflag:s0] =	ssyncset.done @!p0 $0x0  }
0x56: {  	[sflag:s0] =	ssyncadd.s32 @!p0 s1  }
0x57: {  	[bflag:$0x3] =	sbarrier.arrive $0xFFFF  }
0x58: {  	_ =	shalt  }

</sc_bundles>
